<compile_context>
chip_gen: v7x
topology: tpu7x:2x2x1
jax: 0.10.2.dev20260603
libtpu: 0.0.44.dev20260713+nightly
codegen_flags: <defaults>
</compile_context>

<pallas_src>
import functools
import math

import jax
import jax.numpy as jnp
from jax import lax
from jax.experimental import pallas as pl
from jax.experimental.pallas import tpu as pltpu
from jax.experimental.pallas import tpu_sc as plsc

_VOCAB = 50368
_HIDDEN = 768
_B, _S = 4, 8192
_EPS = 1e-12
_SCALE = math.sqrt(float(_HIDDEN))
_L = 16
_NJ = _HIDDEN // _L

_info = plsc.get_sparse_core_info()
_NC, _NS = _info.num_cores, _info.num_subcores
_NW = _NC * _NS
_SPW = _S // _NW
_SB = 64
_NSB = _SPW // _SB

_mesh = plsc.VectorSubcoreMesh(core_axis_name="c", subcore_axis_name="s")


def _rsqrt(x):
    i = lax.bitcast_convert_type(x, jnp.int32)
    i = jnp.int32(0x5F3759DF) - lax.shift_right_logical(i, 1)
    y = lax.bitcast_convert_type(i, jnp.float32)
    for _ in range(3):
        y = y * (1.5 - 0.5 * x * y * y)
    return y


@functools.partial(
    pl.kernel,
    out_type=jax.ShapeDtypeStruct((_B * _S, _HIDDEN), jnp.float32),
    mesh=_mesh,
    compiler_params=pltpu.CompilerParams(needs_layout_passes=False),
    scratch_types=[
        pltpu.VMEM((_SB,), jnp.int32),
        pltpu.VMEM((_SB, _HIDDEN), jnp.float32),
        pltpu.VMEM((_SB, _HIDDEN), jnp.float32),
        pltpu.VMEM((1, _HIDDEN), jnp.float32),
        pltpu.VMEM((_HIDDEN,), jnp.float32),
        pltpu.VMEM((_HIDDEN,), jnp.float32),
        pltpu.SemaphoreType.DMA,
    ],
)
def _sc_embed(ids_hbm, word_hbm, pos_hbm, tt_hbm, g_hbm, bt_hbm, out_hbm,
              ids_v, pos_v, rows_v, tt_v, g_v, bt_v, sem):
    wid = lax.axis_index("s") * _NC + lax.axis_index("c")
    s_base = wid * _SPW

    pltpu.sync_copy(tt_hbm.at[pl.ds(0, 1)], tt_v)
    pltpu.sync_copy(g_hbm, g_v)
    pltpu.sync_copy(bt_hbm, bt_v)

    def sblock(sb, _):
        s0 = s_base + sb * _SB
        pltpu.sync_copy(pos_hbm.at[pl.ds(s0, _SB)], pos_v)

        def comb_t(t, _):
            def comb_j(j, _):
                col = j * _L
                pos_v[t, pl.ds(col, _L)] = (
                    pos_v[t, pl.ds(col, _L)] + tt_v[0, pl.ds(col, _L)]
                )
                return 0
            return lax.fori_loop(0, _NJ, comb_j, 0)
        lax.fori_loop(0, _SB, comb_t, 0)

        def batch(b, _):
            tok0 = b * _S + s0
            pltpu.sync_copy(ids_hbm.at[pl.ds(tok0, _SB)], ids_v)
            pltpu.async_copy(word_hbm.at[ids_v], rows_v, sem).wait()

            def token(t, _):
                def p1(j, carry):
                    acc, acc2 = carry
                    col = j * _L
                    v = rows_v[t, pl.ds(col, _L)] * _SCALE + pos_v[t, pl.ds(col, _L)]
                    rows_v[t, pl.ds(col, _L)] = v
                    return acc + v, acc2 + v * v

                zero = jnp.zeros((_L,), jnp.float32)
                acc, acc2 = lax.fori_loop(0, _NJ, p1, (zero, zero))
                s1 = jnp.sum(acc)
                s2 = jnp.sum(acc2)
                mean = s1 * (1.0 / _HIDDEN)
                var = s2 * (1.0 / _HIDDEN) - mean * mean
                inv = _rsqrt(var + _EPS)
                inv_v = jnp.broadcast_to(inv, (_L,))
                nb_v = jnp.broadcast_to(-mean * inv, (_L,))

                def p2(j, _):
                    col = j * _L
                    x = rows_v[t, pl.ds(col, _L)]
                    y = x * inv_v + nb_v
                    rows_v[t, pl.ds(col, _L)] = (
                        y * g_v[pl.ds(col, _L)] + bt_v[pl.ds(col, _L)]
                    )
                    return 0
                return lax.fori_loop(0, _NJ, p2, 0)

            lax.fori_loop(0, _SB, token, 0)
            pltpu.sync_copy(rows_v, out_hbm.at[pl.ds(tok0, _SB)])
            return 0

        return lax.fori_loop(0, _B, batch, 0)

    lax.fori_loop(0, _NSB, sblock, 0)


def kernel(input_ids, word_table, pos_table, tt_table, ln_gamma, ln_beta):
    ids_flat = input_ids.reshape(-1)
    out_flat = _sc_embed(ids_flat, word_table, pos_table, tt_table,
                         ln_gamma, ln_beta)
    return out_flat.reshape(_B, _S, _HIDDEN)

# --- scband reference (transcript-rebuilt; emitter-appended) ---
"""Pipeline reference for scband-modern-bert-embeddings-31250182046499 (READ-ONLY COPY).

The authoritative reference and input builder live on the scoring server;
editing this copy changes nothing except your own understanding.
"""

import jax, jax.numpy as jnp
import numpy as np
import math

VOCAB = 50368
HIDDEN = 768
MAX_POS = 8192
TYPE_VOCAB = 2
B, S = 4, 8192
EPS = 1e-12


def setup_inputs(seed: int = 0) -> dict:
    key = jax.random.key(seed)
    k1, k2, k3, k4 = jax.random.split(key, 4)
    input_ids = jax.random.randint(k1, (B, S), 0, VOCAB, dtype=jnp.int32)
    word_table = jax.random.normal(k2, (VOCAB, HIDDEN), dtype=jnp.float32) * 0.02
    pos_table = jax.random.normal(k3, (MAX_POS, HIDDEN), dtype=jnp.float32) * 0.02
    tt_table = jax.random.normal(k4, (TYPE_VOCAB, HIDDEN), dtype=jnp.float32) * 0.02
    ln_gamma = jnp.ones((HIDDEN,), dtype=jnp.float32)
    ln_beta = jnp.zeros((HIDDEN,), dtype=jnp.float32)
    return {
        "input_ids": input_ids,
        "word_table": word_table,
        "pos_table": pos_table,
        "tt_table": tt_table,
        "ln_gamma": ln_gamma,
        "ln_beta": ln_beta,
    }


def reference(input_ids, word_table, pos_table, tt_table, ln_gamma, ln_beta):
    seq_length = input_ids.shape[1]
    embedding_scale = jnp.float32(math.sqrt(HIDDEN))
    # word embeddings (gather) scaled
    word_embeddings = jnp.take(word_table, input_ids, axis=0) * embedding_scale
    # position embeddings: position_ids = arange(seq_length), broadcast over batch
    position_ids = jnp.arange(seq_length, dtype=jnp.int32)
    position_embeddings = jnp.take(pos_table, position_ids, axis=0)[None, :, :]
    # token_type_ids default zeros -> row 0 of tt_table gathered per token
    token_type_ids = jnp.zeros_like(input_ids)
    token_type_embeddings = jnp.take(tt_table, token_type_ids, axis=0)
    embeddings = word_embeddings + position_embeddings + token_type_embeddings
    # LayerNorm over last dim
    mean = jnp.mean(embeddings, axis=-1, keepdims=True)
    var = jnp.mean(jnp.square(embeddings - mean), axis=-1, keepdims=True)
    normed = (embeddings - mean) / jnp.sqrt(var + EPS)
    out = normed * ln_gamma + ln_beta
    # dropout (p=0.0 / eval) is identity
    return out

if __name__ == "__main__":
    import jax
    _d = setup_inputs()
    print(jax.jit(kernel)(*tuple(_d.values())))

</pallas_src>

<mosaic_0001>
#map = affine_map<(d0, d1) -> (0)>
#map1 = affine_map<(d0, d1) -> (0, 0)>
module attributes {stable_mosaic.version = 14 : i64} {
  func.func @_sc_embed(%arg0: i32, %arg1: i32, %arg2: memref<32768xi32, #tpu.memory_space<hbm>>, %arg3: memref<50368x768xf32, #tpu.memory_space<hbm>>, %arg4: memref<8192x768xf32, #tpu.memory_space<hbm>>, %arg5: memref<2x768xf32, #tpu.memory_space<hbm>>, %arg6: memref<768xf32, #tpu.memory_space<hbm>>, %arg7: memref<768xf32, #tpu.memory_space<hbm>>, %arg8: memref<32768x768xf32, #tpu.memory_space<hbm>>, %arg9: memref<64xi32, #tpu.memory_space<vmem>>, %arg10: memref<64x768xf32, #tpu.memory_space<vmem>>, %arg11: memref<64x768xf32, #tpu.memory_space<vmem>>, %arg12: memref<1x768xf32, #tpu.memory_space<vmem>>, %arg13: memref<768xf32, #tpu.memory_space<vmem>>, %arg14: memref<768xf32, #tpu.memory_space<vmem>>, %arg15: memref<!tpu.dma_semaphore, #tpu.memory_space<semaphore_mem>>) attributes {dimension_semantics = [#tpu.dimension_semantics<core_parallel>, #tpu.dimension_semantics<subcore_parallel>], iteration_bounds = array<i64: 2, 16>, scalar_prefetch = 0 : i64, scratch_operands = 7 : i64, tpu.core_type = #tpu.core_type<sc_vector_subcore>, window_params = [{transform_indices = #map}, {transform_indices = #map1}, {transform_indices = #map1}, {transform_indices = #map1}, {transform_indices = #map}, {transform_indices = #map}, {transform_indices = #map1}]} {
    %mul3A = arith.constant 2 : i32
    %mul3A_0 = arith.muli %arg1, %mul3A : i32
    %add3A = arith.addi %mul3A_0, %arg0 : i32
    %mul3A_1 = arith.constant 256 : i32
    %mul3A_2 = arith.muli %add3A, %mul3A_1 : i32
    "tpu.region"() ({
      %run_scoped3A = tpu.sem_alloc : memref<!tpu.dma_semaphore, #tpu.memory_space<semaphore_mem>>
      %dma_start3A = arith.constant 0 : i32
      %dma_start3A_9 = arith.constant 0 : i32
      %dma_start3A_10 = tpu.memref_slice %arg5[%dma_start3A, %dma_start3A_9] : memref<2x768xf32, #tpu.memory_space<hbm>> -> memref<1x768xf32, #tpu.memory_space<hbm>>
      %dma_start3A_11 = arith.constant 0 : i32
      %dma_start3A_12 = arith.constant 0 : i32
      %dma_start3A_13 = tpu.memref_slice %arg5[%dma_start3A_11, %dma_start3A_12] : memref<2x768xf32, #tpu.memory_space<hbm>> -> memref<1x768xf32, #tpu.memory_space<hbm>>
      tpu.enqueue_dma source(%dma_start3A_13 : memref<1x768xf32, #tpu.memory_space<hbm>>) target(%arg12 : memref<1x768xf32, #tpu.memory_space<vmem>>) target_semaphore(%run_scoped3A : memref<!tpu.dma_semaphore, #tpu.memory_space<semaphore_mem>>)
      %dma_wait3A = arith.constant 0 : i32
      %dma_wait3A_14 = arith.constant 0 : i32
      %dma_wait3A_15 = tpu.memref_slice %arg5[%dma_wait3A, %dma_wait3A_14] : memref<2x768xf32, #tpu.memory_space<hbm>> -> memref<1x768xf32, #tpu.memory_space<hbm>>
      %dma_wait3A_16 = arith.constant 0 : i32
      %dma_wait3A_17 = arith.constant 0 : i32
      %dma_wait3A_18 = tpu.memref_slice %arg5[%dma_wait3A_16, %dma_wait3A_17] : memref<2x768xf32, #tpu.memory_space<hbm>> -> memref<1x768xf32, #tpu.memory_space<hbm>>
      tpu.wait_dma2 semaphore(%run_scoped3A : memref<!tpu.dma_semaphore, #tpu.memory_space<semaphore_mem>>) src(%dma_wait3A_18 : memref<1x768xf32, #tpu.memory_space<hbm>>) dst(%arg12 : memref<1x768xf32, #tpu.memory_space<vmem>>)
      tpu.yield
    }) : () -> ()
    "tpu.region"() ({
      %run_scoped3A = tpu.sem_alloc : memref<!tpu.dma_semaphore, #tpu.memory_space<semaphore_mem>>
      tpu.enqueue_dma source(%arg6 : memref<768xf32, #tpu.memory_space<hbm>>) target(%arg13 : memref<768xf32, #tpu.memory_space<vmem>>) target_semaphore(%run_scoped3A : memref<!tpu.dma_semaphore, #tpu.memory_space<semaphore_mem>>)
      tpu.wait_dma2 semaphore(%run_scoped3A : memref<!tpu.dma_semaphore, #tpu.memory_space<semaphore_mem>>) src(%arg6 : memref<768xf32, #tpu.memory_space<hbm>>) dst(%arg13 : memref<768xf32, #tpu.memory_space<vmem>>)
      tpu.yield
    }) : () -> ()
    "tpu.region"() ({
      %run_scoped3A = tpu.sem_alloc : memref<!tpu.dma_semaphore, #tpu.memory_space<semaphore_mem>>
      tpu.enqueue_dma source(%arg7 : memref<768xf32, #tpu.memory_space<hbm>>) target(%arg14 : memref<768xf32, #tpu.memory_space<vmem>>) target_semaphore(%run_scoped3A : memref<!tpu.dma_semaphore, #tpu.memory_space<semaphore_mem>>)
      tpu.wait_dma2 semaphore(%run_scoped3A : memref<!tpu.dma_semaphore, #tpu.memory_space<semaphore_mem>>) src(%arg7 : memref<768xf32, #tpu.memory_space<hbm>>) dst(%arg14 : memref<768xf32, #tpu.memory_space<vmem>>)
      tpu.yield
    }) : () -> ()
    %scan3A = arith.constant 0 : i32
    %scan3A_3 = arith.constant 0 : i32
    %scan3A_4 = arith.constant 4 : i32
    %scan3A_5 = arith.addi %scan3A_3, %scan3A_4 : i32
    %scan3A_6 = arith.constant 1 : i32
    %scan3A_7 = scf.for %scan3A_9 = %scan3A_3 to %scan3A_5 step %scan3A_6 iter_args(%scan3A_10 = %scan3A) -> (i32)  : i32 {
      %mul3A_11 = arith.constant 64 : i32
      %mul3A_12 = arith.muli %scan3A_9, %mul3A_11 : i32
      %add3A_13 = arith.addi %mul3A_2, %mul3A_12 : i32
      "tpu.region"() ({
        %run_scoped3A = tpu.sem_alloc : memref<!tpu.dma_semaphore, #tpu.memory_space<semaphore_mem>>
        %dma_start3A = arith.constant 0 : i32
        %dma_start3A_28 = tpu.memref_slice %arg4[%add3A_13, %dma_start3A] : memref<8192x768xf32, #tpu.memory_space<hbm>> -> memref<64x768xf32, #tpu.memory_space<hbm>>
        %dma_start3A_29 = arith.constant 0 : i32
        %dma_start3A_30 = tpu.memref_slice %arg4[%add3A_13, %dma_start3A_29] : memref<8192x768xf32, #tpu.memory_space<hbm>> -> memref<64x768xf32, #tpu.memory_space<hbm>>
        tpu.enqueue_dma source(%dma_start3A_30 : memref<64x768xf32, #tpu.memory_space<hbm>>) target(%arg10 : memref<64x768xf32, #tpu.memory_space<vmem>>) target_semaphore(%run_scoped3A : memref<!tpu.dma_semaphore, #tpu.memory_space<semaphore_mem>>)
        %dma_wait3A = arith.constant 0 : i32
        %dma_wait3A_31 = tpu.memref_slice %arg4[%add3A_13, %dma_wait3A] : memref<8192x768xf32, #tpu.memory_space<hbm>> -> memref<64x768xf32, #tpu.memory_space<hbm>>
        %dma_wait3A_32 = arith.constant 0 : i32
        %dma_wait3A_33 = tpu.memref_slice %arg4[%add3A_13, %dma_wait3A_32] : memref<8192x768xf32, #tpu.memory_space<hbm>> -> memref<64x768xf32, #tpu.memory_space<hbm>>
        tpu.wait_dma2 semaphore(%run_scoped3A : memref<!tpu.dma_semaphore, #tpu.memory_space<semaphore_mem>>) src(%dma_wait3A_33 : memref<64x768xf32, #tpu.memory_space<hbm>>) dst(%arg10 : memref<64x768xf32, #tpu.memory_space<vmem>>)
        tpu.yield
      }) : () -> ()
      %scan3A_14 = arith.constant 0 : i32
      %scan3A_15 = arith.constant 0 : i32
      %scan3A_16 = arith.constant 64 : i32
      %scan3A_17 = arith.addi %scan3A_15, %scan3A_16 : i32
      %scan3A_18 = arith.constant 1 : i32
      %scan3A_19 = scf.for %scan3A_28 = %scan3A_15 to %scan3A_17 step %scan3A_18 iter_args(%scan3A_29 = %scan3A_14) -> (i32)  : i32 {
        %scan3A_30 = arith.constant 0 : i32
        %scan3A_31 = arith.constant 0 : i32
        %scan3A_32 = arith.constant 48 : i32
        %scan3A_33 = arith.addi %scan3A_31, %scan3A_32 : i32
        %scan3A_34 = arith.constant 1 : i32
        %scan3A_35 = scf.for %scan3A_37 = %scan3A_31 to %scan3A_33 step %scan3A_34 iter_args(%scan3A_38 = %scan3A_30) -> (i32)  : i32 {
          %mul3A_39 = arith.constant 16 : i32
          %mul3A_40 = arith.muli %scan3A_37, %mul3A_39 : i32
          %get3A = arith.index_cast %scan3A_28 : i32 to index
          %get3A_41 = arith.index_cast %mul3A_40 : i32 to index
          %get3A_42 = tpu.vector_load %arg10[%get3A, %get3A_41] {strides = array<i32>} : memref<64x768xf32, #tpu.memory_space<vmem>>, vector<16xf32>,
          %get3A_43 = arith.constant 0 : i32
          %get3A_44 = arith.index_cast %get3A_43 : i32 to index
          %get3A_45 = arith.index_cast %mul3A_40 : i32 to index
          %get3A_46 = tpu.vector_load %arg12[%get3A_44, %get3A_45] {strides = array<i32>} : memref<1x768xf32, #tpu.memory_space<vmem>>, vector<16xf32>,
          %add3A_47 = arith.addf %get3A_42, %get3A_46 : vector<16xf32>
          %swap3A = arith.index_cast %scan3A_28 : i32 to index
          %swap3A_48 = arith.index_cast %mul3A_40 : i32 to index
          %swap3A_49 = tpu.vector_load %arg10[%swap3A, %swap3A_48] {strides = array<i32>} : memref<64x768xf32, #tpu.memory_space<vmem>>, vector<16xf32>,
          tpu.vector_store %arg10[%swap3A, %swap3A_48], %add3A_47 {strides = array<i32>} : memref<64x768xf32, #tpu.memory_space<vmem>>, vector<16xf32>,
          %scan3A_50 = arith.constant 0 : i32
          scf.yield %scan3A_50 : i32
        }
        %scan3A_36 = arith.constant 48 : i32
        scf.yield %scan3A_35 : i32
      }
      %scan3A_20 = arith.constant 64 : i32
      %scan3A_21 = arith.constant 0 : i32
      %scan3A_22 = arith.constant 0 : i32
      %scan3A_23 = arith.constant 4 : i32
      %scan3A_24 = arith.addi %scan3A_22, %scan3A_23 : i32
      %scan3A_25 = arith.constant 1 : i32
      %scan3A_26 = scf.for %scan3A_28 = %scan3A_22 to %scan3A_24 step %scan3A_25 iter_args(%scan3A_29 = %scan3A_21) -> (i32)  : i32 {
        %mul3A_30 = arith.constant 8192 : i32
        %mul3A_31 = arith.muli %scan3A_28, %mul3A_30 : i32
        %add3A_32 = arith.addi %mul3A_31, %add3A_13 : i32
        "tpu.region"() ({
          %run_scoped3A = tpu.sem_alloc : memref<!tpu.dma_semaphore, #tpu.memory_space<semaphore_mem>>
          %dma_start3A_45 = tpu.memref_slice %arg2[%add3A_32] : memref<32768xi32, #tpu.memory_space<hbm>> -> memref<64xi32, #tpu.memory_space<hbm>>
          %dma_start3A_46 = tpu.memref_slice %arg2[%add3A_32] : memref<32768xi32, #tpu.memory_space<hbm>> -> memref<64xi32, #tpu.memory_space<hbm>>
          tpu.enqueue_dma source(%dma_start3A_46 : memref<64xi32, #tpu.memory_space<hbm>>) target(%arg9 : memref<64xi32, #tpu.memory_space<vmem>>) target_semaphore(%run_scoped3A : memref<!tpu.dma_semaphore, #tpu.memory_space<semaphore_mem>>)
          %dma_wait3A_47 = tpu.memref_slice %arg2[%add3A_32] : memref<32768xi32, #tpu.memory_space<hbm>> -> memref<64xi32, #tpu.memory_space<hbm>>
          %dma_wait3A_48 = tpu.memref_slice %arg2[%add3A_32] : memref<32768xi32, #tpu.memory_space<hbm>> -> memref<64xi32, #tpu.memory_space<hbm>>
          tpu.wait_dma2 semaphore(%run_scoped3A : memref<!tpu.dma_semaphore, #tpu.memory_space<semaphore_mem>>) src(%dma_wait3A_48 : memref<64xi32, #tpu.memory_space<hbm>>) dst(%arg9 : memref<64xi32, #tpu.memory_space<vmem>>)
          tpu.yield
        }) : () -> ()
        %dma_start3A = arith.constant 0 : i32
        %dma_start3A_33 = arith.constant 0 : i32
        %dma_start3A_34 = tpu.memref_slice %arg3[%dma_start3A, %dma_start3A_33] : memref<50368x768xf32, #tpu.memory_space<hbm>> -> memref<50368x768xf32, #tpu.memory_space<hbm>>
        tpu.enqueue_indirect_dma source(%dma_start3A_34 : memref<50368x768xf32, #tpu.memory_space<hbm>>) target(%arg11 : memref<64x768xf32, #tpu.memory_space<vmem>>) offsets(%arg9 : memref<64xi32, #tpu.memory_space<vmem>>) semaphore(%arg15 : memref<!tpu.dma_semaphore, #tpu.memory_space<semaphore_mem>>)
        %dma_wait3A = arith.constant 0 : i32
        %dma_wait3A_35 = arith.constant 0 : i32
        %dma_wait3A_36 = tpu.memref_slice %arg3[%dma_wait3A, %dma_wait3A_35] : memref<50368x768xf32, #tpu.memory_space<hbm>> -> memref<50368x768xf32, #tpu.memory_space<hbm>>
        tpu.wait_indirect_dma semaphore(%arg15 : memref<!tpu.dma_semaphore, #tpu.memory_space<semaphore_mem>>) src(%dma_wait3A_36 : memref<50368x768xf32, #tpu.memory_space<hbm>>) dst(%arg11 : memref<64x768xf32, #tpu.memory_space<vmem>>)
        %scan3A_37 = arith.constant 0 : i32
        %scan3A_38 = arith.constant 0 : i32
        %scan3A_39 = arith.constant 64 : i32
        %scan3A_40 = arith.addi %scan3A_38, %scan3A_39 : i32
        %scan3A_41 = arith.constant 1 : i32
        %scan3A_42 = scf.for %scan3A_45 = %scan3A_38 to %scan3A_40 step %scan3A_41 iter_args(%scan3A_46 = %scan3A_37) -> (i32)  : i32 {
          %broadcast_in_dim3A = arith.constant 0.000000e+00 : f32
          %broadcast_in_dim3A_47 = vector.broadcast %broadcast_in_dim3A : f32 to vector<16xf32>
          %scan3A_48 = arith.constant 0 : i32
          %scan3A_49 = arith.constant 48 : i32
          %scan3A_50 = arith.addi %scan3A_48, %scan3A_49 : i32
          %scan3A_51 = arith.constant 1 : i32
          %scan3A_52:2 = scf.for %scan3A_104 = %scan3A_48 to %scan3A_50 step %scan3A_51 iter_args(%scan3A_105 = %broadcast_in_dim3A_47, %scan3A_106 = %broadcast_in_dim3A_47) -> (vector<16xf32>, vector<16xf32>)  : i32 {
            %mul3A_107 = arith.constant 16 : i32
            %mul3A_108 = arith.muli %scan3A_104, %mul3A_107 : i32
            %get3A = arith.index_cast %scan3A_45 : i32 to index
            %get3A_109 = arith.index_cast %mul3A_108 : i32 to index
            %get3A_110 = tpu.vector_load %arg11[%get3A, %get3A_109] {strides = array<i32>} : memref<64x768xf32, #tpu.memory_space<vmem>>, vector<16xf32>,
            %mul3A_111 = arith.constant 27.7128124 : f32
            %mul3A_112 = vector.broadcast %mul3A_111 : f32 to vector<16xf32>
            %mul3A_113 = arith.mulf %get3A_110, %mul3A_112 : vector<16xf32>
            %get3A_114 = arith.index_cast %scan3A_45 : i32 to index
            %get3A_115 = arith.index_cast %mul3A_108 : i32 to index
            %get3A_116 = tpu.vector_load %arg10[%get3A_114, %get3A_115] {strides = array<i32>} : memref<64x768xf32, #tpu.memory_space<vmem>>, vector<16xf32>,
            %add3A_117 = arith.addf %mul3A_113, %get3A_116 : vector<16xf32>
            %swap3A = arith.index_cast %scan3A_45 : i32 to index
            %swap3A_118 = arith.index_cast %mul3A_108 : i32 to index
            %swap3A_119 = tpu.vector_load %arg11[%swap3A, %swap3A_118] {strides = array<i32>} : memref<64x768xf32, #tpu.memory_space<vmem>>, vector<16xf32>,
            tpu.vector_store %arg11[%swap3A, %swap3A_118], %add3A_117 {strides = array<i32>} : memref<64x768xf32, #tpu.memory_space<vmem>>, vector<16xf32>,
            %add3A_120 = arith.addf %scan3A_105, %add3A_117 : vector<16xf32>
            %mul3A_121 = arith.mulf %add3A_117, %add3A_117 : vector<16xf32>
            %add3A_122 = arith.addf %scan3A_106, %mul3A_121 : vector<16xf32>
            scf.yield %add3A_120, %add3A_122 : vector<16xf32>, vector<16xf32>
          }
          %scan3A_53 = arith.constant 48 : i32
          %reduce_sum3A = arith.constant true
          %reduce_sum3A_54 = vector.broadcast %reduce_sum3A : i1 to vector<16xi1>
          %reduce_sum3A_55 = tpu.scan <sum>, %scan3A_52#0 masked %reduce_sum3A_54 : vector<16xf32>, vector<16xi1> -> vector<16xf32>
          %reduce_sum3A_56 = vector.extract %reduce_sum3A_55[15] : f32 from vector<16xf32>
          %reduce_sum3A_57 = arith.constant true
          %reduce_sum3A_58 = vector.broadcast %reduce_sum3A_57 : i1 to vector<16xi1>
          %reduce_sum3A_59 = tpu.scan <sum>, %scan3A_52#1 masked %reduce_sum3A_58 : vector<16xf32>, vector<16xi1> -> vector<16xf32>
          %reduce_sum3A_60 = vector.extract %reduce_sum3A_59[15] : f32 from vector<16xf32>
          %mul3A_61 = arith.constant 0.00130208337 : f32
          %mul3A_62 = arith.mulf %reduce_sum3A_56, %mul3A_61 : f32
          %mul3A_63 = arith.constant 0.00130208337 : f32
          %mul3A_64 = arith.mulf %reduce_sum3A_60, %mul3A_63 : f32
          %mul3A_65 = arith.mulf %mul3A_62, %mul3A_62 : f32
          %sub3A = arith.subf %mul3A_64, %mul3A_65 : f32
          %add3A_66 = arith.constant 9.99999996E-13 : f32
          %add3A_67 = arith.addf %sub3A, %add3A_66 : f32
          %bitcast_convert_type3A = arith.bitcast %add3A_67 : f32 to i32
          %shift_right_logical3A = arith.constant 1 : i32
          %shift_right_logical3A_68 = arith.shrui %bitcast_convert_type3A, %shift_right_logical3A : i32
          %sub3A_69 = arith.constant 1597463007 : i32
          %sub3A_70 = arith.subi %sub3A_69, %shift_right_logical3A_68 : i32
          %bitcast_convert_type3A_71 = arith.bitcast %sub3A_70 : i32 to f32
          %mul3A_72 = arith.constant 5.000000e-01 : f32
          %mul3A_73 = arith.mulf %mul3A_72, %add3A_67 : f32
          %mul3A_74 = arith.mulf %mul3A_73, %bitcast_convert_type3A_71 : f32
          %mul3A_75 = arith.mulf %mul3A_74, %bitcast_convert_type3A_71 : f32
          %sub3A_76 = arith.constant 1.500000e+00 : f32
          %sub3A_77 = arith.subf %sub3A_76, %mul3A_75 : f32
          %mul3A_78 = arith.mulf %bitcast_convert_type3A_71, %sub3A_77 : f32
          %mul3A_79 = arith.constant 5.000000e-01 : f32
          %mul3A_80 = arith.mulf %mul3A_79, %add3A_67 : f32
          %mul3A_81 = arith.mulf %mul3A_80, %mul3A_78 : f32
          %mul3A_82 = arith.mulf %mul3A_81, %mul3A_78 : f32
          %sub3A_83 = arith.constant 1.500000e+00 : f32
          %sub3A_84 = arith.subf %sub3A_83, %mul3A_82 : f32
          %mul3A_85 = arith.mulf %mul3A_78, %sub3A_84 : f32
          %mul3A_86 = arith.constant 5.000000e-01 : f32
          %mul3A_87 = arith.mulf %mul3A_86, %add3A_67 : f32
          %mul3A_88 = arith.mulf %mul3A_87, %mul3A_85 : f32
          %mul3A_89 = arith.mulf %mul3A_88, %mul3A_85 : f32
          %sub3A_90 = arith.constant 1.500000e+00 : f32
          %sub3A_91 = arith.subf %sub3A_90, %mul3A_89 : f32
          %mul3A_92 = arith.mulf %mul3A_85, %sub3A_91 : f32
          %broadcast_in_dim3A_93 = vector.broadcast %mul3A_92 : f32 to vector<16xf32>
          %neg3A = arith.constant 0.000000e+00 : f32
          %neg3A_94 = arith.subf %neg3A, %mul3A_62 : f32
          %mul3A_95 = arith.mulf %neg3A_94, %mul3A_92 : f32
          %broadcast_in_dim3A_96 = vector.broadcast %mul3A_95 : f32 to vector<16xf32>
          %scan3A_97 = arith.constant 0 : i32
          %scan3A_98 = arith.constant 0 : i32
          %scan3A_99 = arith.constant 48 : i32
          %scan3A_100 = arith.addi %scan3A_98, %scan3A_99 : i32
          %scan3A_101 = arith.constant 1 : i32
          %scan3A_102 = scf.for %scan3A_104 = %scan3A_98 to %scan3A_100 step %scan3A_101 iter_args(%scan3A_105 = %scan3A_97) -> (i32)  : i32 {
            %mul3A_106 = arith.constant 16 : i32
            %mul3A_107 = arith.muli %scan3A_104, %mul3A_106 : i32
            %get3A = arith.index_cast %scan3A_45 : i32 to index
            %get3A_108 = arith.index_cast %mul3A_107 : i32 to index
            %get3A_109 = tpu.vector_load %arg11[%get3A, %get3A_108] {strides = array<i32>} : memref<64x768xf32, #tpu.memory_space<vmem>>, vector<16xf32>,
            %mul3A_110 = arith.mulf %get3A_109, %broadcast_in_dim3A_93 : vector<16xf32>
            %add3A_111 = arith.addf %mul3A_110, %broadcast_in_dim3A_96 : vector<16xf32>
            %get3A_112 = arith.index_cast %mul3A_107 : i32 to index
            %get3A_113 = tpu.vector_load %arg13[%get3A_112] {strides = array<i32>} : memref<768xf32, #tpu.memory_space<vmem>>, vector<16xf32>,
            %mul3A_114 = arith.mulf %add3A_111, %get3A_113 : vector<16xf32>
            %get3A_115 = arith.index_cast %mul3A_107 : i32 to index
            %get3A_116 = tpu.vector_load %arg14[%get3A_115] {strides = array<i32>} : memref<768xf32, #tpu.memory_space<vmem>>, vector<16xf32>,
            %add3A_117 = arith.addf %mul3A_114, %get3A_116 : vector<16xf32>
            %swap3A = arith.index_cast %scan3A_45 : i32 to index
            %swap3A_118 = arith.index_cast %mul3A_107 : i32 to index
            %swap3A_119 = tpu.vector_load %arg11[%swap3A, %swap3A_118] {strides = array<i32>} : memref<64x768xf32, #tpu.memory_space<vmem>>, vector<16xf32>,
            tpu.vector_store %arg11[%swap3A, %swap3A_118], %add3A_117 {strides = array<i32>} : memref<64x768xf32, #tpu.memory_space<vmem>>, vector<16xf32>,
            %scan3A_120 = arith.constant 0 : i32
            scf.yield %scan3A_120 : i32
          }
          %scan3A_103 = arith.constant 48 : i32
          scf.yield %scan3A_102 : i32
        }
        %scan3A_43 = arith.constant 64 : i32
        "tpu.region"() ({
          %run_scoped3A = tpu.sem_alloc : memref<!tpu.dma_semaphore, #tpu.memory_space<semaphore_mem>>
          %dma_start3A_45 = arith.constant 0 : i32
          %dma_start3A_46 = tpu.memref_slice %arg8[%add3A_32, %dma_start3A_45] : memref<32768x768xf32, #tpu.memory_space<hbm>> -> memref<64x768xf32, #tpu.memory_space<hbm>>
          %dma_start3A_47 = arith.constant 0 : i32
          %dma_start3A_48 = tpu.memref_slice %arg8[%add3A_32, %dma_start3A_47] : memref<32768x768xf32, #tpu.memory_space<hbm>> -> memref<64x768xf32, #tpu.memory_space<hbm>>
          tpu.enqueue_dma source(%arg11 : memref<64x768xf32, #tpu.memory_space<vmem>>) target(%dma_start3A_48 : memref<64x768xf32, #tpu.memory_space<hbm>>) target_semaphore(%run_scoped3A : memref<!tpu.dma_semaphore, #tpu.memory_space<semaphore_mem>>)
          %dma_wait3A_49 = arith.constant 0 : i32
          %dma_wait3A_50 = tpu.memref_slice %arg8[%add3A_32, %dma_wait3A_49] : memref<32768x768xf32, #tpu.memory_space<hbm>> -> memref<64x768xf32, #tpu.memory_space<hbm>>
          %dma_wait3A_51 = arith.constant 0 : i32
          %dma_wait3A_52 = tpu.memref_slice %arg8[%add3A_32, %dma_wait3A_51] : memref<32768x768xf32, #tpu.memory_space<hbm>> -> memref<64x768xf32, #tpu.memory_space<hbm>>
          tpu.wait_dma2 semaphore(%run_scoped3A : memref<!tpu.dma_semaphore, #tpu.memory_space<semaphore_mem>>) src(%arg11 : memref<64x768xf32, #tpu.memory_space<vmem>>) dst(%dma_wait3A_52 : memref<64x768xf32, #tpu.memory_space<hbm>>)
          tpu.yield
        }) : () -> ()
        %scan3A_44 = arith.constant 0 : i32
        scf.yield %scan3A_44 : i32
      }
      %scan3A_27 = arith.constant 4 : i32
      scf.yield %scan3A_26 : i32
    }
    %scan3A_8 = arith.constant 4 : i32
    return
  }
}

</mosaic_0001>

<sc_bundles>
// kernel: kernel.3.cloned.1.call-start
scs
__scs_entry_jumppad:
0x0: {  	(pc) =	sbr.rel $0x88, $3  }
0x1: {  	(tag) =	ssettag $0x0;
	lr =	simm.s32 $0x1  }
0x2: {  	[smem:$0x3F9B] =	sst lr;
	_ =	strace $0xD0000000  }
0x3: {  	_ = 	snop  }
0x4: {  	_ = 	snop  }
0x5: {  	_ = 	snop  }
0x6: {  	_ = 	snop  }
0x7: {  	_ = 	snop  }
__scs_overlays_trampoline_lowered:
0x8: {  	[smem:$0x3FAA] =	sst s0  }
0x9: {  	[smem:$0x3FAB] =	sst s1  }
0xa: {  	[smem:$0x3FAC] =	sst s2  }
0xb: {  	[smem:$0x3FAD] =	sst s3  }
0xc: {  	[smem:$0x3FAE] =	sst s4  }
0xd: {  	[smem:$0x3FAF] =	sst s5  }
0xe: {  	[smem:$0x3FB0] =	sst s6  }
0xf: {  	[smem:$0x3FB1] =	sst s7  }
0x10: {  	[smem:$0x3FB2] =	sst s8  }
0x11: {  	[smem:$0x3FB3] =	sst s9;
	s0 =	simm.s32 @!p0 $0x0  }
0x12: {  	s1 =	sld [smem:$0x3F99];
	s0 =	simm.s32 @p0 $0x1  }
0x13: {  	[smem:$0x3FB4] =	sst s0;
	s0 =	simm.s32 @!p1 $0x0  }
0x14: {  	s2 =	sld [smem:$0x3F98];
	s0 =	simm.s32 @p1 $0x1  }
0x15: {  	[smem:$0x3FB5] =	sst s0;
	s0 =	simm.s32 @!p2 $0x0  }
0x16: {  	s3 =	sld [smem:$0x3FDB];
	s0 =	simm.s32 @p2 $0x1  }
0x17: {  	s4 =	simm.s32 $0x1BF5;
	[smem:$0x3FB7] =	sst s0  }
0x18: {  	s0 =	sld [smem:$0x3F9A];
	_ =	swait.ge [sflag:s4], $0x0  }
0x19: {  	s7 =	sld [smem:$0x3F9B]  }
0x1a: {  	s8 =	sadd.s32 $0xFFFFE003, lr  }
0x1b: {  	s9 =	sadd.s32 $0xFFFFFEF7, lr;
	s5 =	simm.s32 $0xFFFFFFFF;
	p2 =	slt.u32 s8, $0xFFFFF086  }
0x1c: {  	p1 =	slt.u32 s9, $0xF7A;
	s5 =	simm.s32 @!p2 $0x0  }
0x1d: {  	s5 =	simm.s32 @p1 $0x1;
	p0 =	seq.s32 s7, s2  }
0x1e: {  	s7 =	smul.u32 @!p0 $0xF7A, s2;
	p2 =	seq.s32 @!p0 s5, $0x0  }
0x1f: {  	s9 =	smul.u32 $0xF7A, s1;
	s8 =	simm.s32 @!p0 $0x1BF5;
	p2 =	por !p2, p0  }
0x20: {  	[sflag:s8] =	ssyncset.s32 @!p0 $0xFFFFF086;
	s6 =	sadd.s32 @!p0 s3, s7;
	s7 =	simm.s32 @!p0 $0x108  }
0x21: {  	s3 =	sadd.s32 s3, s9;
	s6 =	sadd.s32 @!p0 $0x88, s6;
	s7 =	simm.s32 @p2 $0x1082  }
0x22: {  	[simem:s7], [sflag:s8] =	dma.local @!p0 [hbm:s6], $0xF7A  }
0x23: {  	s9 =	sor.u32 $0xD0000000, s2;
	s6 =	simm.s32 $0x108;
	_ =	swait.ge @!p0 [sflag:s8], $0x0  }
0x24: {  	s3 =	sadd.s32 $0x88, s3;
	s6 =	simm.s32 @!p1 $0x1082;
	[sflag:s4] =	ssyncset.s32 $0xFFFFF086  }
0x25: {  	[simem:s6], [sflag:s4] =	dma.local [hbm:s3], $0xF7A  }
0x26: {  	[smem:$0x3F9B] =	sst s1;
	(tag) =	ssettag s2;
	_ =	strace s9  }
0x27: {  	s1 =	sld [smem:$0x3FAB]  }
0x28: {  	s2 =	sld [smem:$0x3FAC]  }
0x29: {  	s4 =	sld [smem:$0x3FAE]  }
0x2a: {  	p0 =	seq.s32 s5, $0x0;
	s5 =	sld [smem:$0x3FAF]  }
0x2b: {  	s6 =	sld [smem:$0x3FB0]  }
0x2c: {  	s7 =	sld [smem:$0x3FB1]  }
0x2d: {  	s3 =	simm.s32 $0x108;
	s8 =	sld [smem:$0x3FB2]  }
0x2e: {  	s3 =	simm.s32 @!p0 $0x1082;
	s9 =	sld [smem:$0x3FB3]  }
0x2f: {  	lr =	sadd.s32 s0, s3;
	s0 =	sld [smem:$0x3FAA]  }
0x30: {  	s3 =	sld [smem:$0x3FAD]  }
0x31: {  	[smem:$0x3FB6] =	sst s10  }
0x32: {  	s10 =	sld [smem:$0x3FB4];
	_ =	sdelay $0x3  }
0x33: {  	p0 =	seq.s32 s10, $0x1;
	s10 =	sld [smem:$0x3FB6];
	_ =	sdelay $0x3  }
0x34: {  	[smem:$0x3FB6] =	sst s10  }
0x35: {  	s10 =	sld [smem:$0x3FB5];
	_ =	sdelay $0x3  }
0x36: {  	p1 =	seq.s32 s10, $0x1;
	s10 =	sld [smem:$0x3FB6];
	_ =	sdelay $0x3  }
0x37: {  	[smem:$0x3FB6] =	sst s10  }
0x38: {  	s10 =	sld [smem:$0x3FB7]  }
0x39: {  	_ = 	snop;
	(pc) =	sbr.ind lr, $3  }
0x3a: {  	_ = 	snop  }
0x3b: {  	_ = 	snop  }
0x3c: {  	p2 =	seq.s32 s10, $0x1;
	s10 =	sld [smem:$0x3FB6]  }
0x3d: {  	_ =	shalt  }
0x3e: {  	_ =	shalt  }
0x3f: {  	_ =	shalt  }
0x40: {  	_ =	shalt  }
0x41: {  	_ =	shalt  }
0x42: {  	_ =	shalt  }
0x43: {  	_ =	shalt  }
0x44: {  	_ =	shalt  }
0x45: {  	_ =	shalt  }
0x46: {  	_ =	shalt  }
0x47: {  	_ =	shalt  }
0x48: {  	_ =	shalt  }
0x49: {  	_ =	shalt  }
0x4a: {  	_ =	shalt  }
0x4b: {  	_ =	shalt  }
0x4c: {  	_ =	shalt  }
0x4d: {  	_ =	shalt  }
0x4e: {  	_ =	shalt  }
0x4f: {  	_ =	shalt  }
0x50: {  	_ =	shalt  }
0x51: {  	_ =	shalt  }
0x52: {  	_ =	shalt  }
0x53: {  	_ =	shalt  }
0x54: {  	_ =	shalt  }
0x55: {  	_ =	shalt  }
0x56: {  	_ =	shalt  }
0x57: {  	_ =	shalt  }
0x58: {  	_ =	shalt  }
0x59: {  	_ =	shalt  }
0x5a: {  	_ =	shalt  }
0x5b: {  	_ =	shalt  }
0x5c: {  	_ =	shalt  }
0x5d: {  	_ =	shalt  }
0x5e: {  	_ =	shalt  }
0x5f: {  	_ =	shalt  }
0x60: {  	_ =	shalt  }
0x61: {  	_ =	shalt  }
0x62: {  	_ =	shalt  }
0x63: {  	_ =	shalt  }
0x64: {  	_ =	shalt  }
0x65: {  	_ =	shalt  }
0x66: {  	_ =	shalt  }
0x67: {  	_ =	shalt  }
0x68: {  	_ =	shalt  }
0x69: {  	_ =	shalt  }
0x6a: {  	_ =	shalt  }
0x6b: {  	_ =	shalt  }
0x6c: {  	_ =	shalt  }
0x6d: {  	_ =	shalt  }
0x6e: {  	_ =	shalt  }
0x6f: {  	_ =	shalt  }
0x70: {  	_ =	shalt  }
0x71: {  	_ =	shalt  }
0x72: {  	_ =	shalt  }
0x73: {  	_ =	shalt  }
0x74: {  	_ =	shalt  }
0x75: {  	_ =	shalt  }
0x76: {  	_ =	shalt  }
0x77: {  	_ =	shalt  }
0x78: {  	_ =	shalt  }
0x79: {  	_ =	shalt  }
0x7a: {  	_ =	shalt  }
0x7b: {  	_ =	shalt  }
0x7c: {  	_ =	shalt  }
0x7d: {  	_ =	shalt  }
0x7e: {  	_ =	shalt  }
0x7f: {  	_ =	shalt  }
0x80: {  	_ =	shalt  }
0x81: {  	_ =	shalt  }
0x82: {  	_ =	shalt  }
0x83: {  	_ =	shalt  }
0x84: {  	_ =	shalt  }
0x85: {  	_ =	shalt  }
0x86: {  	_ =	shalt  }
0x87: {  	_ =	shalt  }
.Lfunc_end0:
.L_simem_size_0:
called_computation_lowered:
.L_overlay_start_0:
0x88: {  	s2 =	sld [smem:$0x3FD9]  }
0x89: {  	s3 =	sld [smem:$0x3FFE];
	_ =	sdelay $0x1  }
0x8a: {  	s1 =	srdreg.scid  }
0x8b: {  	s0 =	sand.u32 $0x1, s1  }
0x8c: {  	s17 =	sshll.u32 s0, $0xA;
	s2 =	sadd.s32 s3, s2  }
0x8d: {  	s2 =	sadd.s32 s2, s17  }
0x8e: {  	[smem:$0x3FC2] =	sst s2  }
0x8f: {  	_ = 	snop  }
0x90: {  	s2 =	sld [smem:$0x3FC8]  }
0x91: {  	s18 =	sld [smem:$0x3FC7]  }
0x92: {  	s4 =	sld [smem:$0x3FC6]  }
0x93: {  	s5 =	sld [smem:$0x3FC5]  }
0x94: {  	s6 =	sld [smem:$0x3FC4]  }
0x95: {  	s7 =	sld [smem:$0x3FD0];
	(tm) =	ssettm $0x1  }
0x96: {  	s8 =	sld [smem:$0x3FFB];
	_ =	sdelay $0x3  }
0x97: {  	_ =	strace s8  }
0x98: {  	s8 =	sld [smem:$0x3FFC];
	_ =	sdelay $0x3  }
0x99: {  	_ =	strace s8  }
0x9a: {  	s8 =	sld [smem:$0x3FFD];
	_ =	sdelay $0x3  }
0x9b: {  	_ =	strace s8  }
0x9c: {  	_ =	strace $0x8FFFFFFF  }
0x9d: {  	s19 =	sld [smem:$0x3FDB];
	_ =	sdelay $0x1  }
0x9e: {  	s9 =	simm.s32 $_scs_section_size  }
0x9f: {  	s10 =	simm.s32 $_size__tile_overlayer_lowered;
	s11 =	simm.s32 $_tile_overlayer_lowered  }
0xa0: {  	s22 =	simm.s32 $0x1BFF;
	s21 =	sshll.u32 s11, $0x1;
	s8 =	sadd.s32 s9, s19  }
0xa1: {  	s12 =	simm.s32 $0x0;
	s20 =	sshll.u32 s10, $0x1;
	s10 =	sadd.s32 s21, s8  }
0xa2: {  	[timem:s12], [sflag:s22] =	dma.local [hbm:s10], s20  }
0xa3: {  	_ =	swait.ge [sflag:s22], s20  }
0xa4: {  	s9 =	ssub.s32 $0x0, s20;
	[sflag:s22] =	ssyncset.done $0x0  }
0xa5: {  	[sflag:s22] =	ssyncadd.s32 s9;
	_ =	sdelay $0x1  }
0xa6: {  	s23 =	simm.s32 $0x1B8B  }
0xa7: {  	_ =	swait.ge [sflag:s23], $0x1  }
0xa8: {  	[sflag:s23] =	ssyncset.done $0x0  }
0xa9: {  	s25 =	simm.s32 $0x1B8E;
	s24 =	sld [smem:$0x3FFE];
	[sflag:s23] =	ssyncadd.s32 $0xFFFFFFFF  }
0xaa: {  	s26 =	simm.s32 $execute0_lowered;
	[smem:$0x3FD2] =	sst s25  }
0xab: {  	s10 =	sshll.u32 s26, $0x1;
	_ =	strace $0x80000046;
	[dreg:$0x1] =	wrdreg $0xFFFFFFFF  }
0xac: {  	s28 =	simm.s32 $_size_execute0_lowered;
	s8 =	sadd.s32 s8, s10;
	[dreg:$0x0] =	wrdreg $0x0  }
0xad: {  	s10 =	sshll.u32 s28, $0x1;
	[dreg:$0x2] =	wrdreg s8  }
0xae: {  	[dreg:$0x3] =	wrdreg s10  }
0xaf: {  	[dreg:$0x4] =	wrdreg $0xC0  }
0xb0: {  	_ =	task [dreg:s12], $0x5FFFF  }
0xb1: {  	[dreg:$0x1] =	wrdreg $0xFFFFFFFF  }
0xb2: {  	[dreg:$0x0] =	wrdreg $0x60  }
0xb3: {  	[dreg:$0x2] =	wrdreg s24  }
0xb4: {  	[dreg:$0x3] =	wrdreg s2  }
0xb5: {  	[dreg:$0x4] =	wrdreg s18  }
0xb6: {  	[dreg:$0x5] =	wrdreg s4  }
0xb7: {  	[dreg:$0x6] =	wrdreg s5  }
0xb8: {  	[dreg:$0x7] =	wrdreg s6  }
0xb9: {  	[dreg:$0x8] =	wrdreg s7  }
0xba: {  	[dreg:$0x9] =	wrdreg $0x9  }
0xbb: {  	_ =	task.clear_ibuf [dreg:s12], $0xAFFFF;
	_ =	strace $0x90000046  }
0xbc: {  	s29 =	simm.s32 $0x9;
	_ =	strace $0x80000048  }
0xbd: {  	_ =	swait.ge [sflag:s29], $0x1  }
0xbe: {  	[sflag:s29] =	ssyncadd.s32 $0xFFFFFFFF  }
0xbf: {  	_ =	strace $0x90000048  }
0xc0: {  	_ =	sfence  }
0xc1: {  	s30 =	sld [smem:$0x0];
	_ =	sdelay $0x2  }
0xc2: {  	s31 =	sshll.u32 s1, $0xD;
	s1 =	sshrl.u32 s1, $0x2  }
0xc3: {  	s3 =	sand.u32 $0x4000, s31;
	s1 =	sadd.s32 s1, s30  }
0xc4: {  	s0 =	sor.u32 s3, s0;
	s1 =	sshll.u32 s1, $0x11  }
0xc5: {  	s0 =	sor.u32 s1, s0  }
0xc6: {  	s0 =	sadd.s32 $0x8F2B, s0  }
0xc7: {  	[sflag:s0] =	ssyncadd.remote.s32 $0x1  }
0xc8: {  	_ =	sfence.sel $0xFFFF  }
0xc9: {  	[dreg:$0x0] =	wrdreg $0xFFFFFFFF;
	(pc) =	sbr.abs _section_cstart, $3  }
0xca: {  	[dreg:$0x1] =	wrdreg $0xFFFFFFFF  }
0xcb: {  	_ =	task.clear_ibuf [dreg:s12], $0x2FFFF;
	_ =	strace $0x9FFFFFFF  }
0xcc: {  	(tm) =	ssettm $0x7FFFFFFF  }
0xcd: {  	_ =	shalt  }
tec
execute0_lowered:
.L_overlay_start_1:
0x0: {  	(tag) =	ssettag $0x1  }
0x1: {  	s0 =	rddreg [dreg:$0x0]  }
0x2: {  	s1 =	rddreg [dreg:$0x1];
	s3 =	simm.s32 $0x0  }
0x3: {  	s2 =	srdreg.scid;
	s4 =	stileid.u32;
	s17 =	simm.s32 $0x2  }
0x4: {  	s20 =	simm.s32 $0xC080;
	s5 =	simm.s32 $0x13880;
	s15 =	simm.s32 $0x14080  }
0x5: {  	s16 =	simm.s32 $0x14880;
	s18 =	simm.s32 $0x15080;
	s19 =	simm.s32 $0x15880  }
0x6: {  	s13 =	simm.s32 $0x16080;
	s14 =	simm.s32 $0x17080;
	s10 =	simm.s32 $0x17880  }
0x7: {  	s6 =	simm.s32 $0x1;
	[smem:$0x7FF] =	sst s3;
	s2 =	sand.u32 $0x1, s2  }
0x8: {  	s9 =	sadd.s32 $0x400, s0;
	s31 =	sshll.u32 s4, $0x9;
	s29 =	ssub.s32 $0x2, s2  }
0x9: {  	s11 =	sadd.s32 $0x100, s1;
	s2 =	sshll.u32 s2, $0x8;
	s30 =	sshrl.u32 s29, $0x1  }
0xa: {  	v2 =	vlaneseq.u32;
	s12 =	sadd.s32 $0x200, s1;
	s2 =	sor.u32 s2, s31;
	s0 =	ssub.s32 s29, s30  }
0xb: {  	vm0 =	vmmov $0xffff;
	v1 =	vshrl.u32 v2, $0x3;
	_ =	strace $0x80000047;
	[dreg:$0x8] =	wrdreg s2;
	s0 =	smax.u32 s0, $0x1  }
0xc: {  	v0 =	vand.u32 $0x7, v2;
	v2 =	vor.u32 $0x8, v2;
	s3 =	simm.s32 $0x0;
	v1 =	vmul.u32 $0x8, v1;
	s2 =	simm.s32 $0x16880;
	[dreg:$0x9] =	wrdreg s0  }
.LBB2_1:
0xd: {  	[dreg:$0xa] =	wrdreg s3  }
0xe: {  	s0 =	rddreg [dreg:$0x3]  }
0xf: {  	s25 =	simm.s32 $0x80;
	s4 =	simm.s32 $0x100;
	s7 =	simm.s32 $0x18080  }
0x10: {  	[tilespmem:s7], [sflag:$0x2] =	stream.strided.gather [hbm4b:s0+s25], $0x300, s4, s25, $0x38;
	[tilespmem:$0x18980] =	vst v63  }
0x11: {  	_ =	swait.ge [sflag:s17], $0x300  }
0x12: {  	[sflag:s17] =	ssyncset.done $0x0  }
0x13: {  	[sflag:s17] =	ssyncadd.s32 $0xFFFFFD00  }
0x14: {  	s28 =	simm.s32 $0x0;
	s29 =	simm.s32 $0x18380;
	s26 =	rddreg [dreg:$0x4]  }
0x15: {  	[tilespmem:s29], [sflag:$0x2] =	stream.linear.gather [hbm4b:s26+s28], $0x300, $0x38;
	[tilespmem:$0x18980] =	vst v63  }
0x16: {  	_ =	swait.ge [sflag:s17], $0x300  }
0x17: {  	[sflag:s17] =	ssyncset.done $0x0  }
0x18: {  	[sflag:s17] =	ssyncadd.s32 $0xFFFFFD00  }
0x19: {  	s31 =	simm.s32 $0x18680;
	s30 =	rddreg [dreg:$0x5]  }
0x1a: {  	[tilespmem:s31], [sflag:$0x2] =	stream.linear.gather [hbm4b:s30+s28], $0x300, $0x38;
	[tilespmem:$0x18980] =	vst v63  }
0x1b: {  	_ =	swait.ge [sflag:s17], $0x300  }
0x1c: {  	[sflag:s17] =	ssyncset.done $0x0  }
0x1d: {  	s4 =	simm.s32 $0x0;
	s0 =	simm.s32 $0x0;
	[sflag:s17] =	ssyncadd.s32 $0xFFFFFD00  }
.LBB2_2:
0x1e: {  	s29 =	sshll.u32 s0, $0x6;
	s3 =	rddreg [dreg:$0x8]  }
0x1f: {  	s7 =	sadd.s32 s3, s29  }
0x20: {  	[dreg:$0xb] =	wrdreg s0;
	s0 =	sshrl.u32 s7, $0x3  }
0x21: {  	s0 =	smul.u32 $0x300, s0  }
0x22: {  	s30 =	rddreg [dreg:$0x2]  }
0x23: {  	s22 =	simm.s32 $0x0;
	s31 =	simm.s32 $0x80;
	s0 =	sadd.s32 s30, s0  }
0x24: {  	[tilespmem:s31], [sflag:$0x2] =	stream.linear.gather [hbm4b:s0+s22], $0xC000, $0x38;
	[tilespmem:$0x18980] =	vst v63  }
0x25: {  	_ =	swait.ge [sflag:s17], $0xC000  }
0x26: {  	[sflag:s17] =	ssyncset.done $0x0  }
0x27: {  	s23 =	simm.s32 $0x0;
	[sflag:s17] =	ssyncadd.s32 $0xFFFF4000  }
.LBB2_3:
0x28: {  	s0 =	sshrl.u32 s23, $0x3  }
0x29: {  	s0 =	smul.u32 $0x6000, s0  }
0x2a: {  	s8 =	sshll.u32 s23, $0x7  }
0x2b: {  	s8 =	sand.u32 $0x380, s8;
	s0 =	sshra.s32 s0, $0x2  }
0x2c: {  	s26 =	sand.u32 $0x7000, s22;
	s0 =	sor.u32 s8, s0  }
0x2d: {  	s30 =	sshrl.u32 s26, $0x2;
	s21 =	sadd.s32 $0x80, s0  }
0x2e: {  	s24 =	simm.s32 $0x18080;
	s31 =	sand.u32 $0x70, s22;
	s0 =	sadd.s32 s30, s21  }
0x2f: {  	v3 =	vld [tilespmem:s24+$0x0];
	s0 =	sadd.s32 s31, s0  }
0x30: {  	v4 =	vld [tilespmem:s0+$0x0];
	_ =	sdelay $0x3  }
0x31: {  	s25 =	simm.s32 $0x200  }
0x32: {  	s28 =	simm.s32 $0x10;
	s29 =	sand.u32 $0x7000, s25;
	s26 =	simm.s32 $0x20;
	v3 =	vadd.f32 v3, v4  }
.LBB2_4:
0x33: {  	p0 =	sne.s32 s26, $0x2F0;
	s8 =	sshrl.u32 s29, $0x2  }
0x34: {  	s28 =	sand.u32 $0x70, s28;
	s24 =	sadd.s32 $0x10, s24;
	s8 =	sadd.s32 s8, s21;
	[tilespmem:s0+$0x0] =	vst v3  }
0x35: {  	s0 =	sadd.s32 s28, s8;
	v3 =	vld [tilespmem:s24+$0x0];
	s28 =	smov.u32 s26  }
0x36: {  	v4 =	vld [tilespmem:s0+$0x0]  }
.Ltmp0:
0x37: {  	(pc) =	sbr.rel @p0 .LBB2_4-.Ltmp0, $3  }
0x38: {  	_ =	sdelay $0x1  }
0x39: {  	s25 =	sadd.s32 $0x200, s25  }
0x3a: {  	s29 =	sand.u32 $0x7000, s25;
	s26 =	sadd.s32 $0x10, s26;
	v3 =	vadd.f32 v3, v4  }
0x3b: {  	s8 =	sshrl.u32 s29, $0x2  }
0x3c: {  	s25 =	sand.u32 $0x70, s28;
	s31 =	sadd.s32 $0x10, s24;
	s8 =	sadd.s32 s8, s21;
	[tilespmem:s0+$0x0] =	vst v3  }
0x3d: {  	s8 =	sadd.s32 s25, s8;
	v3 =	vld [tilespmem:s31+$0x0]  }
0x3e: {  	v4 =	vld [tilespmem:s8+$0x0]  }
0x3f: {  	s23 =	sadd.s32 $0x1, s23  }
0x40: {  	p0 =	sne.s32 s23, $0x40  }
.Ltmp1:
0x41: {  	_ = 	snop;
	(pc) =	sbr.rel @p0 .LBB2_3-.Ltmp1, $3  }
0x42: {  	_ = 	snop  }
0x43: {  	v3 =	vadd.f32 v3, v4;
	_ =	sdelay $0x1  }
0x44: {  	s21 =	simm.s32 $0x0;
	[tilespmem:s8+$0x0] =	vst v3  }
0x45: {  	s22 =	simm.s32 $0x0  }
.LBB2_7:
0x46: {  	s0 =	sshll.u32 s22, $0xD  }
0x47: {  	s0 =	sadd.s32 s7, s0  }
0x48: {  	s23 =	sshrl.u32 s0, $0x3  }
0x49: {  	s0 =	sadd.s32 s9, s23  }
0x4a: {  	[tilespmem:s21], [sflag:$0x2] =	stream.linear.gather [hbm4b:s0+s21], $0x40, $0x38;
	[tilespmem:$0x18980] =	vst v63  }
0x4b: {  	_ =	swait.ge [sflag:s17], $0x40  }
0x4c: {  	[sflag:s17] =	ssyncset.done $0x0  }
0x4d: {  	[sflag:s17] =	ssyncadd.s32 $0xFFFFFFC0  }
0x4e: {  	v3 =	vld [tilespmem:$0x0];
	_ =	sdelay $0x4  }
0x4f: {  	v4 =	vshrl.u32 v3, $0x3  }
0x50: {  	v4 =	vmul.u32 $0x30, v4  }
0x51: {  	v3 =	vand.u32 $0x7, v3  }
0x52: {  	v3 =	vor.u32 v3, v4  }
0x53: {  	v4 =	vperm.xlane v3, v0;
	_ =	sdelay $0x1  }
0x54: {  	v4 =	vadd.s32 v1, v4;
	_ =	sdelay $0x3  }
0x55: {  	v3 =	vperm.xlane v3, v2  }
0x56: {  	[tilespmem:s20], [sflag:$0x1] =	stream.indirect_vreg.gather [hbm4b:s1+s21], $0x80, v4, vm0, $0xb8;
	[tilespmem:$0x18980] =	vst v63  }
0x57: {  	s26 =	simm.s32 $0xC880;
	v3 =	vadd.s32 v1, v3  }
0x58: {  	[tilespmem:s26], [sflag:$0x1] =	stream.indirect_vreg.gather [hbm4b:s11+s21], $0x80, v4, vm0, $0xb8;
	[tilespmem:$0x18980] =	vst v63  }
0x59: {  	s28 =	simm.s32 $0xD080  }
0x5a: {  	[tilespmem:s28], [sflag:$0x1] =	stream.indirect_vreg.gather [hbm4b:s12+s21], $0x80, v4, vm0, $0xb8;
	[tilespmem:$0x18980] =	vst v63  }
0x5b: {  	s29 =	simm.s32 $0xD880  }
0x5c: {  	[tilespmem:s29], [sflag:$0x1] =	stream.indirect_vreg.gather [hbm4b:s1+s21], $0x80, v3, vm0, $0xb8;
	[tilespmem:$0x18980] =	vst v63  }
0x5d: {  	s30 =	simm.s32 $0xE080  }
0x5e: {  	[tilespmem:s30], [sflag:$0x1] =	stream.indirect_vreg.gather [hbm4b:s11+s21], $0x80, v3, vm0, $0xb8;
	[tilespmem:$0x18980] =	vst v63  }
0x5f: {  	s31 =	simm.s32 $0xE880  }
0x60: {  	[tilespmem:s31], [sflag:$0x1] =	stream.indirect_vreg.gather [hbm4b:s12+s21], $0x80, v3, vm0, $0xb8;
	[tilespmem:$0x18980] =	vst v63  }
0x61: {  	v3 =	vld [tilespmem:$0x10];
	_ =	sdelay $0x4  }
0x62: {  	v61 =	vshrl.u32 v3, $0x3  }
0x63: {  	v4 =	vmul.u32 $0x30, v61  }
0x64: {  	v3 =	vand.u32 $0x7, v3  }
0x65: {  	v3 =	vor.u32 v3, v4  }
0x66: {  	v4 =	vperm.xlane v3, v0;
	_ =	sdelay $0x1  }
0x67: {  	v4 =	vadd.s32 v1, v4;
	_ =	sdelay $0x3  }
0x68: {  	s3 =	simm.s32 $0xF080;
	v3 =	vperm.xlane v3, v2  }
0x69: {  	[tilespmem:s3], [sflag:$0x1] =	stream.indirect_vreg.gather [hbm4b:s1+s21], $0x80, v4, vm0, $0xb8;
	[tilespmem:$0x18980] =	vst v63  }
0x6a: {  	s8 =	simm.s32 $0xF880;
	v3 =	vadd.s32 v1, v3  }
0x6b: {  	[tilespmem:s8], [sflag:$0x1] =	stream.indirect_vreg.gather [hbm4b:s11+s21], $0x80, v4, vm0, $0xb8;
	[tilespmem:$0x18980] =	vst v63  }
0x6c: {  	s24 =	simm.s32 $0x10080  }
0x6d: {  	[tilespmem:s24], [sflag:$0x1] =	stream.indirect_vreg.gather [hbm4b:s12+s21], $0x80, v4, vm0, $0xb8;
	[tilespmem:$0x18980] =	vst v63  }
0x6e: {  	s25 =	simm.s32 $0x10880  }
0x6f: {  	[tilespmem:s25], [sflag:$0x1] =	stream.indirect_vreg.gather [hbm4b:s1+s21], $0x80, v3, vm0, $0xb8;
	[tilespmem:$0x18980] =	vst v63  }
0x70: {  	s26 =	simm.s32 $0x11080  }
0x71: {  	[tilespmem:s26], [sflag:$0x1] =	stream.indirect_vreg.gather [hbm4b:s11+s21], $0x80, v3, vm0, $0xb8;
	[tilespmem:$0x18980] =	vst v63  }
0x72: {  	s28 =	simm.s32 $0x11880  }
0x73: {  	[tilespmem:s28], [sflag:$0x1] =	stream.indirect_vreg.gather [hbm4b:s12+s21], $0x80, v3, vm0, $0xb8;
	[tilespmem:$0x18980] =	vst v63  }
0x74: {  	v3 =	vld [tilespmem:$0x20];
	_ =	sdelay $0x4  }
0x75: {  	v62 =	vshrl.u32 v3, $0x3  }
0x76: {  	v4 =	vmul.u32 $0x30, v62  }
0x77: {  	v3 =	vand.u32 $0x7, v3  }
0x78: {  	v3 =	vor.u32 v3, v4  }
0x79: {  	v4 =	vperm.xlane v3, v0;
	_ =	sdelay $0x1  }
0x7a: {  	v4 =	vadd.s32 v1, v4;
	_ =	sdelay $0x3  }
0x7b: {  	s29 =	simm.s32 $0x12080;
	v3 =	vperm.xlane v3, v2  }
0x7c: {  	[tilespmem:s29], [sflag:$0x1] =	stream.indirect_vreg.gather [hbm4b:s1+s21], $0x80, v4, vm0, $0xb8;
	[tilespmem:$0x18980] =	vst v63  }
0x7d: {  	s30 =	simm.s32 $0x12880;
	v3 =	vadd.s32 v1, v3  }
0x7e: {  	[tilespmem:s30], [sflag:$0x1] =	stream.indirect_vreg.gather [hbm4b:s11+s21], $0x80, v4, vm0, $0xb8;
	[tilespmem:$0x18980] =	vst v63  }
0x7f: {  	s31 =	simm.s32 $0x13080  }
0x80: {  	[tilespmem:s31], [sflag:$0x1] =	stream.indirect_vreg.gather [hbm4b:s12+s21], $0x80, v4, vm0, $0xb8;
	[tilespmem:$0x18980] =	vst v63  }
0x81: {  	_ = 	snop  }
0x82: {  	[tilespmem:s5], [sflag:$0x1] =	stream.indirect_vreg.gather [hbm4b:s1+s21], $0x80, v3, vm0, $0xb8;
	[tilespmem:$0x18980] =	vst v63  }
0x83: {  	_ = 	snop  }
0x84: {  	[tilespmem:s15], [sflag:$0x1] =	stream.indirect_vreg.gather [hbm4b:s11+s21], $0x80, v3, vm0, $0xb8;
	[tilespmem:$0x18980] =	vst v63  }
0x85: {  	_ = 	snop  }
0x86: {  	[tilespmem:s16], [sflag:$0x1] =	stream.indirect_vreg.gather [hbm4b:s12+s21], $0x80, v3, vm0, $0xb8;
	[tilespmem:$0x18980] =	vst v63  }
0x87: {  	v3 =	vld [tilespmem:$0x30];
	_ =	sdelay $0x4  }
0x88: {  	v63 =	vshrl.u32 v3, $0x3  }
0x89: {  	v4 =	vmul.u32 $0x30, v63  }
0x8a: {  	v3 =	vand.u32 $0x7, v3  }
0x8b: {  	v3 =	vor.u32 v3, v4  }
0x8c: {  	v4 =	vperm.xlane v3, v0;
	_ =	sdelay $0x1  }
0x8d: {  	v4 =	vadd.s32 v1, v4;
	_ =	sdelay $0x3  }
0x8e: {  	v3 =	vperm.xlane v3, v2  }
0x8f: {  	[tilespmem:s18], [sflag:$0x1] =	stream.indirect_vreg.gather [hbm4b:s1+s21], $0x80, v4, vm0, $0xb8;
	[tilespmem:$0x18980] =	vst v63  }
0x90: {  	v3 =	vadd.s32 v1, v3  }
0x91: {  	[tilespmem:s19], [sflag:$0x1] =	stream.indirect_vreg.gather [hbm4b:s11+s21], $0x80, v4, vm0, $0xb8;
	[tilespmem:$0x18980] =	vst v63  }
0x92: {  	_ = 	snop  }
0x93: {  	[tilespmem:s13], [sflag:$0x1] =	stream.indirect_vreg.gather [hbm4b:s12+s21], $0x80, v4, vm0, $0xb8;
	[tilespmem:$0x18980] =	vst v63  }
0x94: {  	_ = 	snop  }
0x95: {  	[tilespmem:s2], [sflag:$0x1] =	stream.indirect_vreg.gather [hbm4b:s1+s21], $0x80, v3, vm0, $0xb8;
	[tilespmem:$0x18980] =	vst v63  }
0x96: {  	_ = 	snop  }
0x97: {  	[tilespmem:s14], [sflag:$0x1] =	stream.indirect_vreg.gather [hbm4b:s11+s21], $0x80, v3, vm0, $0xb8;
	[tilespmem:$0x18980] =	vst v63  }
0x98: {  	_ = 	snop  }
0x99: {  	[tilespmem:s10], [sflag:$0x1] =	stream.indirect_vreg.gather [hbm4b:s12+s21], $0x80, v3, vm0, $0xb8;
	[tilespmem:$0x18980] =	vst v63  }
0x9a: {  	_ =	swait.ge [sflag:s6], $0xC000  }
0x9b: {  	[sflag:s6] =	ssyncset.done $0x0  }
0x9c: {  	s24 =	simm.s32 $0x0;
	[sflag:s6] =	ssyncadd.s32 $0xFFFF4000  }
.LBB2_8:
0x9d: {  	s26 =	sshrl.u32 s24, $0x3  }
0x9e: {  	s8 =	sshll.u32 s24, $0x7;
	s0 =	smul.u32 $0x1800, s26  }
0x9f: {  	s29 =	simm.s32 $0x0;
	s25 =	sand.u32 $0x380, s8  }
0xa0: {  	s8 =	sand.u32 $0x1C00, s29;
	s28 =	sor.u32 s25, s0  }
0xa1: {  	s3 =	sand.u32 $0x70, s29;
	s0 =	sadd.s32 s28, s8  }
0xa2: {  	s30 =	sor.u32 s3, s0  }
0xa3: {  	v4 =	vld [tilespmem:s30+$0xC080];
	_ =	sdelay $0x1  }
0xa4: {  	v5 =	vld [tilespmem:s30+$0x80];
	_ =	sdelay $0x2  }
0xa5: {  	v3 =	vimm.f32 $0.0e+00;
	s31 =	simm.s32 $0x20;
	s0 =	simm.s32 $0x10;
	v6 =	vmul.f32 $2.771281240e+01, v4;
	v4 =	vimm.f32 $0.0e+00  }
.LBB2_9:
0xa6: {  	p0 =	sne.s32 s31, $0x2F0;
	s29 =	sadd.s32 $0x80, s29  }
0xa7: {  	s8 =	sand.u32 $0x1C00, s29;
	v5 =	vadd.f32 v5, v6  }
0xa8: {  	s3 =	sand.u32 $0x70, s0;
	s0 =	smov.u32 s31;
	s8 =	sadd.s32 s28, s8  }
0xa9: {  	[tilespmem:s30+$0xC080] =	vst v5;
	s30 =	sor.u32 s3, s8;
	v3 =	vadd.f32 v5, v3;
	v5 =	vmul.f32 v5, v5  }
0xaa: {  	v6 =	vld [tilespmem:s30+$0xC080]  }
.Ltmp2:
0xab: {  	v4 =	vadd.f32 v5, v4;
	(pc) =	sbr.rel @p0 .LBB2_9-.Ltmp2, $2  }
0xac: {  	v5 =	vld [tilespmem:s30+$0x80];
	_ =	sdelay $0x2  }
0xad: {  	s31 =	sadd.s32 $0x10, s31;
	v6 =	vmul.f32 $2.771281240e+01, v6  }
0xae: {  	s3 =	sadd.s32 $0x80, s29  }
0xaf: {  	s3 =	sand.u32 $0x1C00, s3;
	v5 =	vadd.f32 v5, v6  }
0xb0: {  	s0 =	sand.u32 $0x70, s0;
	s3 =	sadd.s32 s28, s3  }
0xb1: {  	s0 =	sor.u32 s0, s3;
	[tilespmem:s30+$0xC080] =	vst v5  }
0xb2: {  	v6 =	vld [tilespmem:s0+$0xC080];
	_ =	sdelay $0x1  }
0xb3: {  	v7 =	vld [tilespmem:s0+$0x80];
	_ =	sdelay $0x2  }
0xb4: {  	v6 =	vmul.f32 $2.771281240e+01, v6;
	_ =	sdelay $0x1  }
0xb5: {  	v6 =	vadd.f32 v7, v6;
	v7 =	vmul.f32 v5, v5  }
0xb6: {  	v3 =	vadd.f32 v5, v3  }
0xb7: {  	v4 =	vadd.f32 v7, v4;
	v5 =	vmul.f32 v6, v6  }
0xb8: {  	v3 =	vadd.f32 v6, v3  }
0xb9: {  	v4 =	vadd.f32 v5, v4  }
0xba: {  	(xrf2) =	vadd.scan.msk.f32 $0xffff, v3  }
0xbb: {  	(xrf2) =	vadd.scan.msk.f32 $0xffff, v4;
	_ =	sdelay $0x8  }
0xbc: {  	v3, _, _ =	vpop (xrf2)  }
0xbd: {  	(v2sf) =	vpush v3, $0xF;
	v3, _, _ =	vpop (xrf2)  }
0xbe: {  	(v2sf) =	vpush v3, $0xF;
	_ =	sdelay $0xd  }
0xbf: {  	s3 =	spop (v2sf)  }
0xc0: {  	s3 =	smul.f32 $1.302083370e-03, s3;
	s8 =	spop (v2sf)  }
0xc1: {  	s8 =	smul.f32 $1.302083370e-03, s8  }
0xc2: {  	s28 =	smul.f32 s3, s3;
	_ =	sdelay $0x1  }
0xc3: {  	s8 =	ssub.f32 s8, s28;
	_ =	sdelay $0x1  }
0xc4: {  	s8 =	sadd.f32 $9.999999960e-13, s8;
	_ =	sdelay $0x1  }
0xc5: {  	s28 =	sshrl.u32 s8, $0x1;
	s8 =	smul.f32 $5.000000000e-01, s8  }
0xc6: {  	s28 =	ssub.s32 $0x5F3759DF, s28  }
0xc7: {  	s29 =	smul.f32 s28, s8;
	_ =	sdelay $0x1  }
0xc8: {  	s29 =	smul.f32 s28, s29;
	_ =	sdelay $0x1  }
0xc9: {  	s29 =	ssub.f32 $1.500000000e+00, s29;
	_ =	sdelay $0x1  }
0xca: {  	s28 =	smul.f32 s28, s29;
	_ =	sdelay $0x1  }
0xcb: {  	s29 =	smul.f32 s28, s8;
	_ =	sdelay $0x1  }
0xcc: {  	s29 =	smul.f32 s29, s28;
	_ =	sdelay $0x1  }
0xcd: {  	s29 =	ssub.f32 $1.500000000e+00, s29  }
0xce: {  	s26 =	smul.u32 $0x6000, s26  }
0xcf: {  	s28 =	smul.f32 s29, s28  }
0xd0: {  	s26 =	sshra.s32 s26, $0x2;
	s29 =	simm.s32 $0x0  }
0xd1: {  	s25 =	sor.u32 s25, s26;
	s26 =	sand.u32 $0x7000, s29;
	s8 =	smul.f32 s28, s8  }
0xd2: {  	s25 =	sadd.s32 $0xC080, s25;
	s26 =	sshrl.u32 s26, $0x2  }
0xd3: {  	s29 =	sand.u32 $0x70, s29;
	s26 =	sadd.s32 s26, s25;
	s8 =	smul.f32 s8, s28  }
0xd4: {  	[tilespmem:s0+$0xC080] =	vst v6;
	s26 =	sadd.s32 s29, s26  }
0xd5: {  	v4 =	vld [tilespmem:s26+$0x0];
	s8 =	ssub.f32 $1.500000000e+00, s8;
	_ =	sdelay $0x1  }
0xd6: {  	s3 =	ssub.f32 $0.0e+00, s3;
	s0 =	smul.f32 s8, s28  }
0xd7: {  	_ = 	snop  }
0xd8: {  	s28 =	simm.s32 $0x18380;
	v3 =	vmov s0;
	s0 =	smul.f32 s0, s3  }
0xd9: {  	v6 =	vld [tilespmem:s28+$0x0];
	v5 =	vmul.f32 v4, v3  }
0xda: {  	s29 =	simm.s32 $0x18680;
	v4 =	vmov s0  }
0xdb: {  	v7 =	vadd.f32 v5, v4;
	v5 =	vld [tilespmem:s29+$0x0];
	_ =	sdelay $0x2  }
0xdc: {  	s31 =	simm.s32 $0x200;
	v6 =	vmul.f32 v7, v6  }
0xdd: {  	s30 =	simm.s32 $0x10;
	s8 =	sand.u32 $0x7000, s31;
	s0 =	simm.s32 $0x20  }
.LBB2_11:
0xde: {  	p0 =	sne.s32 s0, $0x2F0;
	s3 =	sshrl.u32 s8, $0x2;
	v5 =	vadd.f32 v6, v5  }
0xdf: {  	s8 =	sand.u32 $0x70, s30;
	s30 =	smov.u32 s0;
	s3 =	sadd.s32 s3, s25  }
0xe0: {  	[tilespmem:s26+$0x0] =	vst v5;
	s26 =	sadd.s32 s8, s3  }
0xe1: {  	v5 =	vld [tilespmem:s26+$0x0];
	_ =	sdelay $0x2  }
0xe2: {  	s28 =	sadd.s32 $0x10, s28  }
0xe3: {  	v6 =	vld [tilespmem:s28+$0x0]  }
0xe4: {  	s29 =	sadd.s32 $0x10, s29;
	v7 =	vmul.f32 v5, v3  }
.Ltmp3:
0xe5: {  	v5 =	vld [tilespmem:s29+$0x0];
	(pc) =	sbr.rel @p0 .LBB2_11-.Ltmp3, $3  }
0xe6: {  	v7 =	vadd.f32 v7, v4;
	_ =	sdelay $0x1  }
0xe7: {  	s31 =	sadd.s32 $0x200, s31;
	v6 =	vmul.f32 v7, v6  }
0xe8: {  	s0 =	sadd.s32 $0x10, s0;
	s8 =	sand.u32 $0x7000, s31  }
0xe9: {  	s0 =	sshrl.u32 s8, $0x2;
	v5 =	vadd.f32 v6, v5  }
0xea: {  	s3 =	sand.u32 $0x70, s30;
	s0 =	sadd.s32 s0, s25  }
0xeb: {  	s0 =	sadd.s32 s3, s0;
	[tilespmem:s26+$0x0] =	vst v5  }
0xec: {  	v5 =	vld [tilespmem:s0+$0x0];
	_ =	sdelay $0x2  }
0xed: {  	s30 =	sadd.s32 $0x10, s28  }
0xee: {  	v62 =	vld [tilespmem:s30+$0x0]  }
0xef: {  	s31 =	sadd.s32 $0x10, s29;
	v3 =	vmul.f32 v5, v3  }
0xf0: {  	v63 =	vld [tilespmem:s31+$0x0]  }
0xf1: {  	s24 =	sadd.s32 $0x1, s24;
	v3 =	vadd.f32 v3, v4  }
0xf2: {  	p0 =	sne.s32 s24, $0x40  }
.Ltmp4:
0xf3: {  	v3 =	vmul.f32 v3, v62;
	(pc) =	sbr.rel @p0 .LBB2_8-.Ltmp4, $3  }
0xf4: {  	_ = 	snop  }
0xf5: {  	v3 =	vadd.f32 v3, v63;
	_ =	sdelay $0x1  }
0xf6: {  	[tilespmem:s0+$0x0] =	vst v3  }
0xf7: {  	s0 =	smul.u32 $0x300, s23;
	s22 =	sadd.s32 $0x1, s22  }
0xf8: {  	s3 =	rddreg [dreg:$0x6];
	p0 =	sne.s32 s22, $0x4  }
.Ltmp5:
0xf9: {  	s0 =	sadd.s32 s3, s0;
	(pc) =	sbr.rel @p0 .LBB2_7-.Ltmp5, $4  }
0xfa: {  	[hbm4b:s0+s4] =	stream.linear.scatter [tilespmem:s20], [sflag:$0x2], $0xC000, $0x38;
	[tilespmem:$0x18980] =	vst v63  }
0xfb: {  	_ =	swait.ge [sflag:s17], $0xC000  }
0xfc: {  	[sflag:s17] =	ssyncset.done $0x0  }
0xfd: {  	[sflag:s17] =	ssyncadd.s32 $0xFFFF4000  }
0xfe: {  	s0 =	rddreg [dreg:$0xb]  }
0xff: {  	s0 =	sadd.s32 $0x1, s0  }
0x100: {  	p0 =	sne.s32 s0, $0x4  }
.Ltmp6:
0x101: {  	_ = 	snop;
	(pc) =	sbr.rel @p0 .LBB2_2-.Ltmp6, $1  }
0x102: {  	_ =	sdelay $0x3  }
0x103: {  	s3 =	rddreg [dreg:$0xa]  }
0x104: {  	s0 =	rddreg [dreg:$0x9];
	s3 =	sadd.s32 $0x1, s3  }
0x105: {  	p0 =	sne.s32 s3, s0  }
.Ltmp7:
0x106: {  	_ = 	snop;
	(pc) =	sbr.rel @p0 .LBB2_1-.Ltmp7, $1  }
0x107: {  	_ =	sdelay $0x3  }
0x108: {  	_ =	sfence.sel $0x180000  }
0x109: {  	[bflag:$0x0] =	sbarrier.arrive $0xFFFF  }
0x10a: {  	_ =	strace $0x90000047  }
0x10b: {  	s0 =	stileid.u32;
	[bflag:$0x2] =	sbarrier.arrive $0xFFFF  }
0x10c: {  	p0 =	sne.s32 s0, $0x0;
	s0 =	rddreg [dreg:$0x7]  }
0x10d: {  	s0 =	sadd.s32 @!p0 $0x100000, s0  }
0x10e: {  	[sflag:s0] =	ssyncadd.tile.s32 @!p0 $0x1;
	_ =	shalt  }
.Lfunc_end2:
_tile_overlayer_lowered:
.L_overlay_start_2:
0x10f: {  	(tag) =	ssettag $0x2  }
0x110: {  	s0 =	rddreg [dreg:$0x0];
	s2 =	stileid.u32  }
0x111: {  	s1 =	rddreg [dreg:$0x1];
	p0 =	sne.s32 s2, $0x0  }
0x112: {  	s3 =	rddreg [dreg:$0x2];
	[bflag:$0x3] =	sbarrier.arrive $0xFFFF;
	s2 =	simm.s32 @!p0 $0x1C02  }
0x113: {  	[timem:s3], [sflag:s2] =	dma.local @!p0 [hbm:s0], s1  }
0x114: {  	s0 =	simm.s32 @!p0 $0x2  }
0x115: {  	_ =	swait.ge @!p0 [sflag:s0], s1  }
0x116: {  	s1 =	ssub.s32 @!p0 $0x0, s1;
	[sflag:s0] =	ssyncset.done @!p0 $0x0  }
0x117: {  	[sflag:s0] =	ssyncadd.s32 @!p0 s1  }
0x118: {  	[bflag:$0x3] =	sbarrier.arrive $0xFFFF  }
0x119: {  	_ =	shalt  }

</sc_bundles>
